<compile_context>
chip_gen: v7x
topology: tpu7x:2x2x1
jax: 0.10.2.dev20260603
libtpu: 0.0.44.dev20260713+nightly
codegen_flags: <defaults>
</compile_context>

<pallas_src>
import functools

import jax
import jax.numpy as jnp
from jax import lax
from jax.experimental import pallas as pl
from jax.experimental.pallas import tpu as pltpu
from jax.experimental.pallas import tpu_sc as plsc

BATCH = 16
POOL = 1000
CTX_LEN = 12
CTX_DIM = 512
CLS_NUM = 100
SEQ = 77
PROMPT_LEN = 2 * CTX_LEN
SUF_LEN = SEQ - 1 - PROMPT_LEN
NC_SUF_LEN = SEQ - 1 - CTX_LEN
NC_SEQ = 1 + PROMPT_LEN + NC_SUF_LEN

_CBLK = 20
_PBLK = 40


def _sc_ctx_body(idx_hbm, gflat, aflat, ctx_out, idx_v, gidx_v, rows_v, sem):
    wid = lax.axis_index("s") * 2 + lax.axis_index("c")

    @pl.when(wid < 24)
    def _():
        pltpu.sync_copy(idx_hbm, idx_v)
        m = wid * 16 + lax.iota(jnp.int32, 16)
        k = lax.div(m, CTX_LEN)
        sel = lax.rem(k, BATCH)
        dnums = lax.GatherDimensionNumbers(
            offset_dims=(), collapsed_slice_dims=(0,), start_index_map=(0,))
        pool_row = lax.gather(
            idx_v[...], sel.reshape(16, 1), dnums, (1,),
            mode=lax.GatherScatterMode.PROMISE_IN_BOUNDS)
        gidx_v[...] = pool_row * CTX_LEN + (m - k * CTX_LEN)

        @pl.when(wid < 12)
        def _():
            pltpu.async_copy(gflat.at[gidx_v], rows_v, sem).wait()

        @pl.when(wid >= 12)
        def _():
            pltpu.async_copy(aflat.at[gidx_v], rows_v, sem).wait()

        pltpu.sync_copy(rows_v, ctx_out.at[pl.ds(wid * 16, 16)])


def _sc_gather_ctx(indices_g, gflat, aflat):
    k = functools.partial(
        pl.kernel,
        mesh=plsc.VectorSubcoreMesh(core_axis_name="c", subcore_axis_name="s"),
        out_type=jax.ShapeDtypeStruct((2 * BATCH * CTX_LEN, CTX_DIM),
                                      jnp.float32),
        scratch_types=[
            pltpu.VMEM((BATCH,), jnp.int32),
            pltpu.VMEM((16,), jnp.int32),
            pltpu.VMEM((16, CTX_DIM), jnp.float32),
            pltpu.SemaphoreType.DMA,
        ],
    )(_sc_ctx_body)
    return k(indices_g, gflat, aflat)


def _tc_prompts_body(ctx_ref, pre_ref, suf_ref, out_ref):
    out_ref[:, 0:1, :] = pre_ref[...]
    out_ref[:, 1:1 + CTX_LEN, :] = jnp.broadcast_to(
        ctx_ref[0:CTX_LEN, :][None], (_CBLK, CTX_LEN, CTX_DIM))
    out_ref[:, 1 + CTX_LEN:1 + PROMPT_LEN, :] = jnp.broadcast_to(
        ctx_ref[CTX_LEN:PROMPT_LEN, :][None], (_CBLK, CTX_LEN, CTX_DIM))
    out_ref[:, 1 + PROMPT_LEN:SEQ, :] = suf_ref[...]


def _tc_prompts(ctx, token_prefix, token_suffix):
    return pl.pallas_call(
        _tc_prompts_body,
        grid=(BATCH, CLS_NUM // _CBLK),
        in_specs=[
            pl.BlockSpec((PROMPT_LEN, CTX_DIM), lambda b, cb: (b, 0)),
            pl.BlockSpec((_CBLK, 1, CTX_DIM), lambda b, cb: (cb, 0, 0)),
            pl.BlockSpec((_CBLK, SUF_LEN, CTX_DIM), lambda b, cb: (cb, 0, 0)),
        ],
        out_specs=pl.BlockSpec(
            (_CBLK, SEQ, CTX_DIM),
            lambda b, cb: (b * (CLS_NUM // _CBLK) + cb, 0, 0)),
        out_shape=jax.ShapeDtypeStruct((BATCH * CLS_NUM, SEQ, CTX_DIM),
                                       jnp.float32),
    )(ctx, token_prefix, token_suffix)


def _tc_tok_body(tokp_ref, nctok_ref, tok_out, nctok_out):
    for i in range(BATCH):
        tok_out[i * CLS_NUM:(i + 1) * CLS_NUM, :] = tokp_ref[...]
    nctok_out[...] = jnp.broadcast_to(nctok_ref[...], (POOL, SEQ))


def _tc_tok(tokenized_prompts, nc_tokenized_prompts):
    return pl.pallas_call(
        _tc_tok_body,
        grid=(1,),
        in_specs=[
            pl.BlockSpec((CLS_NUM, SEQ), lambda i: (0, 0)),
            pl.BlockSpec((1, SEQ), lambda i: (0, 0)),
        ],
        out_specs=[
            pl.BlockSpec((BATCH * CLS_NUM, SEQ), lambda i: (0, 0)),
            pl.BlockSpec((POOL, SEQ), lambda i: (0, 0)),
        ],
        out_shape=[
            jax.ShapeDtypeStruct((BATCH * CLS_NUM, SEQ),
                                 tokenized_prompts.dtype),
            jax.ShapeDtypeStruct((POOL, SEQ), nc_tokenized_prompts.dtype),
        ],
    )(tokenized_prompts, nc_tokenized_prompts)


def _tc_nc_body(g_ref, a_ref, pre_ref, suf_ref, out_ref):
    out_ref[:, 0:1, :] = jnp.broadcast_to(pre_ref[...], (_PBLK, 1, CTX_DIM))
    out_ref[:, 1:1 + CTX_LEN, :] = g_ref[...]
    out_ref[:, 1 + CTX_LEN:1 + PROMPT_LEN, :] = a_ref[...]
    out_ref[:, 1 + PROMPT_LEN:NC_SEQ, :] = jnp.broadcast_to(
        suf_ref[...], (_PBLK, NC_SUF_LEN, CTX_DIM))


def _tc_nc(global_prompt, attribute_prompt, nc_token_prefix, nc_token_suffix):
    return pl.pallas_call(
        _tc_nc_body,
        grid=(POOL // _PBLK,),
        in_specs=[
            pl.BlockSpec((_PBLK, CTX_LEN, CTX_DIM), lambda p: (p, 0, 0)),
            pl.BlockSpec((_PBLK, CTX_LEN, CTX_DIM), lambda p: (p, 0, 0)),
            pl.BlockSpec((1, 1, CTX_DIM), lambda p: (0, 0, 0)),
            pl.BlockSpec((1, NC_SUF_LEN, CTX_DIM), lambda p: (0, 0, 0)),
        ],
        out_specs=pl.BlockSpec((_PBLK, NC_SEQ, CTX_DIM), lambda p: (p, 0, 0)),
        out_shape=jax.ShapeDtypeStruct((POOL, NC_SEQ, CTX_DIM), jnp.float32),
    )(global_prompt, attribute_prompt, nc_token_prefix, nc_token_suffix)


def kernel(indices_g, global_prompt, attribute_prompt, token_prefix,
           token_suffix, nc_token_prefix, nc_token_suffix, tokenized_prompts,
           nc_tokenized_prompts):
    idx = indices_g.astype(jnp.int32)
    gflat = global_prompt.reshape(POOL * CTX_LEN, CTX_DIM)
    aflat = attribute_prompt.reshape(POOL * CTX_LEN, CTX_DIM)
    ctx = _sc_gather_ctx(idx, gflat, aflat)
    prompts = _tc_prompts(ctx, token_prefix, token_suffix)
    tok, nc_tok = _tc_tok(tokenized_prompts, nc_tokenized_prompts)
    nc_prompts = _tc_nc(global_prompt, attribute_prompt,
                        nc_token_prefix, nc_token_suffix)
    return prompts, tok, nc_prompts, nc_tok

# --- scband reference (transcript-rebuilt; emitter-appended) ---
"""Pipeline reference for scband-prompt-learner-32298154066101 (READ-ONLY COPY).

The authoritative reference and input builder live on the scoring server;
editing this copy changes nothing except your own understanding.
"""

import jax, jax.numpy as jnp
import numpy as np

BATCH = 16
POOL = 1000
CTX_LEN = 12
TEXT_PROMPT = 2
CTX_DIM = 512
CLS_NUM = 100
SEQ = 77
PROMPT_LEN = CTX_LEN * TEXT_PROMPT
SUF_LEN = SEQ - 1 - PROMPT_LEN
NC_SUF_LEN = SEQ - 1 - CTX_LEN
VOCAB = 49408


def setup_inputs(seed: int = 0):
    key = jax.random.key(seed)
    ks = jax.random.split(key, 9)
    return {
        'indices_g': jax.random.randint(ks[0], (BATCH,), 0, POOL),
        'global_prompt': jax.random.normal(ks[1], (POOL, CTX_LEN, CTX_DIM), jnp.float32) * 0.02,
        'attribute_prompt': jax.random.normal(ks[2], (POOL, CTX_LEN, CTX_DIM), jnp.float32) * 0.02,
        'token_prefix': jax.random.normal(ks[3], (CLS_NUM, 1, CTX_DIM), jnp.float32),
        'token_suffix': jax.random.normal(ks[4], (CLS_NUM, SUF_LEN, CTX_DIM), jnp.float32),
        'nc_token_prefix': jax.random.normal(ks[5], (1, 1, CTX_DIM), jnp.float32),
        'nc_token_suffix': jax.random.normal(ks[6], (1, NC_SUF_LEN, CTX_DIM), jnp.float32),
        'tokenized_prompts': jax.random.randint(ks[7], (CLS_NUM, SEQ), 0, VOCAB),
        'nc_tokenized_prompts': jax.random.randint(ks[8], (1, SEQ), 0, VOCAB),
    }


def reference(indices_g, global_prompt, attribute_prompt, token_prefix, token_suffix,
              nc_token_prefix, nc_token_suffix, tokenized_prompts, nc_tokenized_prompts):
    batch = indices_g.shape[0]
    cls_num = token_prefix.shape[0]
    ctx_dim = global_prompt.shape[-1]

    # prompt-pool embedding lookup (gather)
    prom_global = jnp.take(global_prompt, indices_g, axis=0)      # [B, CTX_LEN, D]
    prom_attri = jnp.take(attribute_prompt, indices_g, axis=0)    # [B, CTX_LEN, D]
    ctx = jnp.concatenate([prom_global, prom_attri], axis=0).reshape(batch, -1, ctx_dim)  # [B, 2*CTX_LEN, D]

    # prompt_pos == 2 path
    prefix = jnp.broadcast_to(token_prefix[None], (batch,) + token_prefix.shape)   # [B, C, 1, D]
    suffix = jnp.broadcast_to(token_suffix[None], (batch,) + token_suffix.shape)   # [B, C, SUF, D]
    ctx_e = jnp.broadcast_to(ctx[:, None], (batch, cls_num) + ctx.shape[1:])       # [B, C, 2*CTX_LEN, D]
    prompts = jnp.concatenate([prefix, ctx_e, suffix], axis=2)                     # [B, C, 77, D]
    prompts = prompts.reshape(batch * cls_num, -1, ctx_dim)

    tok = jnp.broadcast_to(tokenized_prompts[None], (batch,) + tokenized_prompts.shape)
    tok = tok.reshape(batch * cls_num, -1)

    # only_prefix()
    ctx2 = jnp.concatenate([global_prompt, attribute_prompt], axis=1)              # [POOL, 2*CTX_LEN, D]
    pool = ctx2.shape[0]
    nc_tok = jnp.tile(nc_tokenized_prompts, (pool, 1))
    nc_prefix = jnp.tile(nc_token_prefix, (pool, 1, 1))
    nc_suffix = jnp.tile(nc_token_suffix, (pool, 1, 1))
    nc_prompts = jnp.concatenate([nc_prefix, ctx2, nc_suffix], axis=1)             # [POOL, 89, D]

    return (prompts, tok, nc_prompts, nc_tok)

if __name__ == "__main__":
    import jax
    _d = setup_inputs()
    print(jax.jit(kernel)(*tuple(_d.values())))

</pallas_src>

<mosaic_0001>
#map = affine_map<(d0, d1) -> (0)>
#map1 = affine_map<(d0, d1) -> (0, 0)>
module attributes {stable_mosaic.version = 14 : i64} {
  func.func @_sc_ctx_body(%arg0: i32, %arg1: i32, %arg2: memref<16xi32, #tpu.memory_space<hbm>>, %arg3: memref<12000x512xf32, #tpu.memory_space<hbm>>, %arg4: memref<12000x512xf32, #tpu.memory_space<hbm>>, %arg5: memref<384x512xf32, #tpu.memory_space<hbm>>, %arg6: memref<16xi32, #tpu.memory_space<vmem>>, %arg7: memref<16xi32, #tpu.memory_space<vmem>>, %arg8: memref<16x512xf32, #tpu.memory_space<vmem>>, %arg9: memref<!tpu.dma_semaphore, #tpu.memory_space<semaphore_mem>>) attributes {dimension_semantics = [#tpu.dimension_semantics<core_parallel>, #tpu.dimension_semantics<subcore_parallel>], iteration_bounds = array<i64: 2, 16>, scalar_prefetch = 0 : i64, scratch_operands = 4 : i64, tpu.core_type = #tpu.core_type<sc_vector_subcore>, window_params = [{transform_indices = #map}, {transform_indices = #map1}, {transform_indices = #map1}, {transform_indices = #map1}]} {
    %mul3A = arith.constant 2 : i32
    %mul3A_0 = arith.muli %arg1, %mul3A : i32
    %add3A = arith.addi %mul3A_0, %arg0 : i32
    %lt3A = arith.constant 24 : i32
    %lt3A_1 = arith.cmpi slt, %add3A, %lt3A : i32
    %convert_element_type3A = arith.extui %lt3A_1 : i1 to i32
    %cond3A = arith.constant 0 : i32
    %cond3A_2 = arith.cmpi ne, %convert_element_type3A, %cond3A : i32
    scf.if %cond3A_2 {
      "tpu.region"() ({
        %run_scoped3A = tpu.sem_alloc : memref<!tpu.dma_semaphore, #tpu.memory_space<semaphore_mem>>
        tpu.enqueue_dma source(%arg2 : memref<16xi32, #tpu.memory_space<hbm>>) target(%arg6 : memref<16xi32, #tpu.memory_space<vmem>>) target_semaphore(%run_scoped3A : memref<!tpu.dma_semaphore, #tpu.memory_space<semaphore_mem>>)
        tpu.wait_dma2 semaphore(%run_scoped3A : memref<!tpu.dma_semaphore, #tpu.memory_space<semaphore_mem>>) src(%arg2 : memref<16xi32, #tpu.memory_space<hbm>>) dst(%arg6 : memref<16xi32, #tpu.memory_space<vmem>>)
        tpu.yield
      }) : () -> ()
      %mul3A_3 = arith.constant 16 : i32
      %mul3A_4 = arith.muli %add3A, %mul3A_3 : i32
      %iota3A = tpu.iota {dimensions = array<i32: 0>} : vector<16xi32>
      %add3A_5 = vector.broadcast %mul3A_4 : i32 to vector<16xi32>
      %add3A_6 = arith.addi %add3A_5, %iota3A : vector<16xi32>
      %div3A = arith.constant 12 : i32
      %div3A_7 = vector.broadcast %div3A : i32 to vector<16xi32>
      %div3A_8 = arith.divsi %add3A_6, %div3A_7 : vector<16xi32>
      %rem3A = arith.constant 16 : i32
      %rem3A_9 = vector.broadcast %rem3A : i32 to vector<16xi32>
      %rem3A_10 = arith.remsi %div3A_8, %rem3A_9 : vector<16xi32>
      %get3A = arith.constant 0 : index
      %get3A_11 = tpu.vector_load %arg6[%get3A] {strides = array<i32>} : memref<16xi32, #tpu.memory_space<vmem>>, vector<16xi32>,
      %get3A_12 = vector.shape_cast %get3A_11 : vector<16xi32> to vector<16xi32>
      %reshape3A = vector.shape_cast %rem3A_10 : vector<16xi32> to vector<16x1xi32>
      %gather3A = vector.shape_cast %reshape3A : vector<16x1xi32> to vector<16xi32>
      %gather3A_13 = tpu.dynamic_gather %get3A_12[%gather3A] in [0] : vector<16xi32>, vector<16xi32> -> vector<16xi32>
      %mul3A_14 = arith.constant 12 : i32
      %mul3A_15 = vector.broadcast %mul3A_14 : i32 to vector<16xi32>
      %mul3A_16 = arith.muli %gather3A_13, %mul3A_15 : vector<16xi32>
      %mul3A_17 = arith.constant 12 : i32
      %mul3A_18 = vector.broadcast %mul3A_17 : i32 to vector<16xi32>
      %mul3A_19 = arith.muli %div3A_8, %mul3A_18 : vector<16xi32>
      %sub3A = arith.subi %add3A_6, %mul3A_19 : vector<16xi32>
      %add3A_20 = arith.addi %mul3A_16, %sub3A : vector<16xi32>
      %swap3A = arith.constant 0 : index
      %swap3A_21 = tpu.vector_load %arg7[%swap3A] {strides = array<i32>} : memref<16xi32, #tpu.memory_space<vmem>>, vector<16xi32>,
      %swap3A_22 = vector.shape_cast %swap3A_21 : vector<16xi32> to vector<16xi32>
      %swap3A_23 = vector.shape_cast %add3A_20 : vector<16xi32> to vector<16xi32>
      tpu.vector_store %arg7[%swap3A], %swap3A_23 {strides = array<i32>} : memref<16xi32, #tpu.memory_space<vmem>>, vector<16xi32>,
      %lt3A_24 = arith.constant 12 : i32
      %lt3A_25 = arith.cmpi slt, %add3A, %lt3A_24 : i32
      %convert_element_type3A_26 = arith.extui %lt3A_25 : i1 to i32
      %cond3A_27 = arith.constant 0 : i32
      %cond3A_28 = arith.cmpi ne, %convert_element_type3A_26, %cond3A_27 : i32
      scf.if %cond3A_28 {
        %dma_start3A = arith.constant 0 : i32
        %dma_start3A_35 = arith.constant 0 : i32
        %dma_start3A_36 = tpu.memref_slice %arg3[%dma_start3A, %dma_start3A_35] : memref<12000x512xf32, #tpu.memory_space<hbm>> -> memref<12000x512xf32, #tpu.memory_space<hbm>>
        tpu.enqueue_indirect_dma source(%dma_start3A_36 : memref<12000x512xf32, #tpu.memory_space<hbm>>) target(%arg8 : memref<16x512xf32, #tpu.memory_space<vmem>>) offsets(%arg7 : memref<16xi32, #tpu.memory_space<vmem>>) semaphore(%arg9 : memref<!tpu.dma_semaphore, #tpu.memory_space<semaphore_mem>>)
        %dma_wait3A = arith.constant 0 : i32
        %dma_wait3A_37 = arith.constant 0 : i32
        %dma_wait3A_38 = tpu.memref_slice %arg3[%dma_wait3A, %dma_wait3A_37] : memref<12000x512xf32, #tpu.memory_space<hbm>> -> memref<12000x512xf32, #tpu.memory_space<hbm>>
        tpu.wait_indirect_dma semaphore(%arg9 : memref<!tpu.dma_semaphore, #tpu.memory_space<semaphore_mem>>) src(%dma_wait3A_38 : memref<12000x512xf32, #tpu.memory_space<hbm>>) dst(%arg8 : memref<16x512xf32, #tpu.memory_space<vmem>>)
      } else {
      }
      %ge3A = arith.constant 12 : i32
      %ge3A_29 = arith.cmpi sge, %add3A, %ge3A : i32
      %convert_element_type3A_30 = arith.extui %ge3A_29 : i1 to i32
      %cond3A_31 = arith.constant 0 : i32
      %cond3A_32 = arith.cmpi ne, %convert_element_type3A_30, %cond3A_31 : i32
      scf.if %cond3A_32 {
        %dma_start3A = arith.constant 0 : i32
        %dma_start3A_35 = arith.constant 0 : i32
        %dma_start3A_36 = tpu.memref_slice %arg4[%dma_start3A, %dma_start3A_35] : memref<12000x512xf32, #tpu.memory_space<hbm>> -> memref<12000x512xf32, #tpu.memory_space<hbm>>
        tpu.enqueue_indirect_dma source(%dma_start3A_36 : memref<12000x512xf32, #tpu.memory_space<hbm>>) target(%arg8 : memref<16x512xf32, #tpu.memory_space<vmem>>) offsets(%arg7 : memref<16xi32, #tpu.memory_space<vmem>>) semaphore(%arg9 : memref<!tpu.dma_semaphore, #tpu.memory_space<semaphore_mem>>)
        %dma_wait3A = arith.constant 0 : i32
        %dma_wait3A_37 = arith.constant 0 : i32
        %dma_wait3A_38 = tpu.memref_slice %arg4[%dma_wait3A, %dma_wait3A_37] : memref<12000x512xf32, #tpu.memory_space<hbm>> -> memref<12000x512xf32, #tpu.memory_space<hbm>>
        tpu.wait_indirect_dma semaphore(%arg9 : memref<!tpu.dma_semaphore, #tpu.memory_space<semaphore_mem>>) src(%dma_wait3A_38 : memref<12000x512xf32, #tpu.memory_space<hbm>>) dst(%arg8 : memref<16x512xf32, #tpu.memory_space<vmem>>)
      } else {
      }
      %mul3A_33 = arith.constant 16 : i32
      %mul3A_34 = arith.muli %add3A, %mul3A_33 : i32
      "tpu.region"() ({
        %run_scoped3A = tpu.sem_alloc : memref<!tpu.dma_semaphore, #tpu.memory_space<semaphore_mem>>
        %dma_start3A = arith.constant 0 : i32
        %dma_start3A_35 = tpu.memref_slice %arg5[%mul3A_34, %dma_start3A] : memref<384x512xf32, #tpu.memory_space<hbm>> -> memref<16x512xf32, #tpu.memory_space<hbm>>
        %dma_start3A_36 = arith.constant 0 : i32
        %dma_start3A_37 = tpu.memref_slice %arg5[%mul3A_34, %dma_start3A_36] : memref<384x512xf32, #tpu.memory_space<hbm>> -> memref<16x512xf32, #tpu.memory_space<hbm>>
        tpu.enqueue_dma source(%arg8 : memref<16x512xf32, #tpu.memory_space<vmem>>) target(%dma_start3A_37 : memref<16x512xf32, #tpu.memory_space<hbm>>) target_semaphore(%run_scoped3A : memref<!tpu.dma_semaphore, #tpu.memory_space<semaphore_mem>>)
        %dma_wait3A = arith.constant 0 : i32
        %dma_wait3A_38 = tpu.memref_slice %arg5[%mul3A_34, %dma_wait3A] : memref<384x512xf32, #tpu.memory_space<hbm>> -> memref<16x512xf32, #tpu.memory_space<hbm>>
        %dma_wait3A_39 = arith.constant 0 : i32
        %dma_wait3A_40 = tpu.memref_slice %arg5[%mul3A_34, %dma_wait3A_39] : memref<384x512xf32, #tpu.memory_space<hbm>> -> memref<16x512xf32, #tpu.memory_space<hbm>>
        tpu.wait_dma2 semaphore(%run_scoped3A : memref<!tpu.dma_semaphore, #tpu.memory_space<semaphore_mem>>) src(%arg8 : memref<16x512xf32, #tpu.memory_space<vmem>>) dst(%dma_wait3A_40 : memref<16x512xf32, #tpu.memory_space<hbm>>)
        tpu.yield
      }) : () -> ()
    } else {
    }
    return
  }
}

module attributes {stable_mosaic.version = 14 : i64} {
  func.func @_tc_nc_body(%arg0: i32, %arg1: memref<40x12x512xf32, #tpu.memory_space<vmem>>, %arg2: memref<40x12x512xf32, #tpu.memory_space<vmem>>, %arg3: memref<1x1x512xf32, #tpu.memory_space<vmem>>, %arg4: memref<1x64x512xf32, #tpu.memory_space<vmem>>, %arg5: memref<40x89x512xf32, #tpu.memory_space<vmem>>) attributes {dimension_semantics = [#tpu.dimension_semantics<arbitrary>], iteration_bounds = array<i64: 25>, scalar_prefetch = 0 : i64, scratch_operands = 0 : i64, tpu.core_type = #tpu.core_type<tc>, window_params = [{transform_indices = @transform_0, window_bounds = array<i64: 40, 12, 512>}, {transform_indices = @transform_1, window_bounds = array<i64: 40, 12, 512>}, {pipeline_mode = #tpu.pipeline_mode<synchronous>, transform_indices = @transform_2, window_bounds = array<i64: 1, 1, 512>}, {pipeline_mode = #tpu.pipeline_mode<synchronous>, transform_indices = @transform_3, window_bounds = array<i64: 1, 64, 512>}, {transform_indices = @transform_4, window_bounds = array<i64: 40, 89, 512>}]} {
    %get3A = arith.constant 0 : index
    %get3A_0 = arith.constant 0 : index
    %get3A_1 = arith.constant 0 : index
    %get3A_2 = vector.load %arg3[%get3A, %get3A_0, %get3A_1] : memref<1x1x512xf32, #tpu.memory_space<vmem>>, vector<1x1x512xf32>
    %broadcast_in_dim3A = vector.shape_cast %get3A_2 : vector<1x1x512xf32> to vector<1x1x512xf32>
    %broadcast_in_dim3A_3 = vector.broadcast %broadcast_in_dim3A : vector<1x1x512xf32> to vector<40x1x512xf32>
    %swap3A = arith.constant 0 : index
    %swap3A_4 = arith.constant 0 : index
    %swap3A_5 = arith.constant 0 : index
    %swap3A_6 = vector.load %arg5[%swap3A, %swap3A_4, %swap3A_5] : memref<40x89x512xf32, #tpu.memory_space<vmem>>, vector<40x1x512xf32>
    tpu.vector_store %arg5[%swap3A, %swap3A_4, %swap3A_5], %broadcast_in_dim3A_3 {strides = array<i32>} : memref<40x89x512xf32, #tpu.memory_space<vmem>>, vector<40x1x512xf32>,
    %get3A_7 = arith.constant 0 : index
    %get3A_8 = arith.constant 0 : index
    %get3A_9 = arith.constant 0 : index
    %get3A_10 = vector.load %arg1[%get3A_7, %get3A_8, %get3A_9] : memref<40x12x512xf32, #tpu.memory_space<vmem>>, vector<40x12x512xf32>
    %swap3A_11 = arith.constant 0 : index
    %swap3A_12 = arith.constant 1 : index
    %swap3A_13 = arith.constant 0 : index
    %swap3A_14 = vector.load %arg5[%swap3A_11, %swap3A_12, %swap3A_13] : memref<40x89x512xf32, #tpu.memory_space<vmem>>, vector<40x12x512xf32>
    tpu.vector_store %arg5[%swap3A_11, %swap3A_12, %swap3A_13], %get3A_10 {strides = array<i32>} : memref<40x89x512xf32, #tpu.memory_space<vmem>>, vector<40x12x512xf32>,
    %get3A_15 = arith.constant 0 : index
    %get3A_16 = arith.constant 0 : index
    %get3A_17 = arith.constant 0 : index
    %get3A_18 = vector.load %arg2[%get3A_15, %get3A_16, %get3A_17] : memref<40x12x512xf32, #tpu.memory_space<vmem>>, vector<40x12x512xf32>
    %swap3A_19 = arith.constant 0 : index
    %swap3A_20 = arith.constant 13 : index
    %swap3A_21 = arith.constant 0 : index
    %swap3A_22 = vector.load %arg5[%swap3A_19, %swap3A_20, %swap3A_21] : memref<40x89x512xf32, #tpu.memory_space<vmem>>, vector<40x12x512xf32>
    tpu.vector_store %arg5[%swap3A_19, %swap3A_20, %swap3A_21], %get3A_18 {strides = array<i32>} : memref<40x89x512xf32, #tpu.memory_space<vmem>>, vector<40x12x512xf32>,
    %get3A_23 = arith.constant 0 : index
    %get3A_24 = arith.constant 0 : index
    %get3A_25 = arith.constant 0 : index
    %get3A_26 = vector.load %arg4[%get3A_23, %get3A_24, %get3A_25] : memref<1x64x512xf32, #tpu.memory_space<vmem>>, vector<1x64x512xf32>
    %broadcast_in_dim3A_27 = vector.shape_cast %get3A_26 : vector<1x64x512xf32> to vector<1x64x512xf32>
    %broadcast_in_dim3A_28 = vector.broadcast %broadcast_in_dim3A_27 : vector<1x64x512xf32> to vector<40x64x512xf32>
    %swap3A_29 = arith.constant 0 : index
    %swap3A_30 = arith.constant 25 : index
    %swap3A_31 = arith.constant 0 : index
    %swap3A_32 = vector.load %arg5[%swap3A_29, %swap3A_30, %swap3A_31] : memref<40x89x512xf32, #tpu.memory_space<vmem>>, vector<40x64x512xf32>
    tpu.vector_store %arg5[%swap3A_29, %swap3A_30, %swap3A_31], %broadcast_in_dim3A_28 {strides = array<i32>} : memref<40x89x512xf32, #tpu.memory_space<vmem>>, vector<40x64x512xf32>,
    return
  }
  func.func @transform_0(%arg0: i32) -> (i32, i32, i32) {
    %c0_i32 = arith.constant 0 : i32
    %c0_i32_0 = arith.constant 0 : i32
    %c0_i32_1 = arith.constant 0 : i32
    return %arg0, %c0_i32, %c0_i32_0 : i32, i32, i32
  }
  func.func @transform_1(%arg0: i32) -> (i32, i32, i32) {
    %c0_i32 = arith.constant 0 : i32
    %c0_i32_0 = arith.constant 0 : i32
    %c0_i32_1 = arith.constant 0 : i32
    return %arg0, %c0_i32, %c0_i32_0 : i32, i32, i32
  }
  func.func @transform_2(%arg0: i32) -> (i32, i32, i32) {
    %c0_i32 = arith.constant 0 : i32
    %c0_i32_0 = arith.constant 0 : i32
    %c0_i32_1 = arith.constant 0 : i32
    %c0_i32_2 = arith.constant 0 : i32
    return %c0_i32, %c0_i32_0, %c0_i32_1 : i32, i32, i32
  }
  func.func @transform_3(%arg0: i32) -> (i32, i32, i32) {
    %c0_i32 = arith.constant 0 : i32
    %c0_i32_0 = arith.constant 0 : i32
    %c0_i32_1 = arith.constant 0 : i32
    %c0_i32_2 = arith.constant 0 : i32
    return %c0_i32, %c0_i32_0, %c0_i32_1 : i32, i32, i32
  }
  func.func @transform_4(%arg0: i32) -> (i32, i32, i32) {
    %c0_i32 = arith.constant 0 : i32
    %c0_i32_0 = arith.constant 0 : i32
    %c0_i32_1 = arith.constant 0 : i32
    return %arg0, %c0_i32, %c0_i32_0 : i32, i32, i32
  }
}

module attributes {stable_mosaic.version = 14 : i64} {
  func.func @_tc_tok_body(%arg0: i32, %arg1: memref<100x77xi32, #tpu.memory_space<vmem>>, %arg2: memref<1x77xi32, #tpu.memory_space<vmem>>, %arg3: memref<1600x77xi32, #tpu.memory_space<vmem>>, %arg4: memref<1000x77xi32, #tpu.memory_space<vmem>>) attributes {dimension_semantics = [#tpu.dimension_semantics<arbitrary>], iteration_bounds = array<i64: 1>, scalar_prefetch = 0 : i64, scratch_operands = 0 : i64, tpu.core_type = #tpu.core_type<tc>, window_params = [{pipeline_mode = #tpu.pipeline_mode<synchronous>, transform_indices = @transform_0, window_bounds = array<i64: 100, 77>}, {pipeline_mode = #tpu.pipeline_mode<synchronous>, transform_indices = @transform_1, window_bounds = array<i64: 1, 77>}, {pipeline_mode = #tpu.pipeline_mode<synchronous>, transform_indices = @transform_2, window_bounds = array<i64: 1600, 77>}, {pipeline_mode = #tpu.pipeline_mode<synchronous>, transform_indices = @transform_3, window_bounds = array<i64: 1000, 77>}]} {
    %get3A = arith.constant 0 : index
    %get3A_0 = arith.constant 0 : index
    %get3A_1 = vector.load %arg1[%get3A, %get3A_0] : memref<100x77xi32, #tpu.memory_space<vmem>>, vector<100x77xi32>
    %swap3A = arith.constant 0 : index
    %swap3A_2 = arith.constant 0 : index
    %swap3A_3 = vector.load %arg3[%swap3A, %swap3A_2] : memref<1600x77xi32, #tpu.memory_space<vmem>>, vector<100x77xi32>
    tpu.vector_store %arg3[%swap3A, %swap3A_2], %get3A_1 {strides = array<i32>} : memref<1600x77xi32, #tpu.memory_space<vmem>>, vector<100x77xi32>,
    %get3A_4 = arith.constant 0 : index
    %get3A_5 = arith.constant 0 : index
    %get3A_6 = vector.load %arg1[%get3A_4, %get3A_5] : memref<100x77xi32, #tpu.memory_space<vmem>>, vector<100x77xi32>
    %swap3A_7 = arith.constant 100 : index
    %swap3A_8 = arith.constant 0 : index
    %swap3A_9 = vector.load %arg3[%swap3A_7, %swap3A_8] : memref<1600x77xi32, #tpu.memory_space<vmem>>, vector<100x77xi32>
    tpu.vector_store %arg3[%swap3A_7, %swap3A_8], %get3A_6 {strides = array<i32>} : memref<1600x77xi32, #tpu.memory_space<vmem>>, vector<100x77xi32>,
    %get3A_10 = arith.constant 0 : index
    %get3A_11 = arith.constant 0 : index
    %get3A_12 = vector.load %arg1[%get3A_10, %get3A_11] : memref<100x77xi32, #tpu.memory_space<vmem>>, vector<100x77xi32>
    %swap3A_13 = arith.constant 200 : index
    %swap3A_14 = arith.constant 0 : index
    %swap3A_15 = vector.load %arg3[%swap3A_13, %swap3A_14] : memref<1600x77xi32, #tpu.memory_space<vmem>>, vector<100x77xi32>
    tpu.vector_store %arg3[%swap3A_13, %swap3A_14], %get3A_12 {strides = array<i32>} : memref<1600x77xi32, #tpu.memory_space<vmem>>, vector<100x77xi32>,
    %get3A_16 = arith.constant 0 : index
    %get3A_17 = arith.constant 0 : index
    %get3A_18 = vector.load %arg1[%get3A_16, %get3A_17] : memref<100x77xi32, #tpu.memory_space<vmem>>, vector<100x77xi32>
    %swap3A_19 = arith.constant 300 : index
    %swap3A_20 = arith.constant 0 : index
    %swap3A_21 = vector.load %arg3[%swap3A_19, %swap3A_20] : memref<1600x77xi32, #tpu.memory_space<vmem>>, vector<100x77xi32>
    tpu.vector_store %arg3[%swap3A_19, %swap3A_20], %get3A_18 {strides = array<i32>} : memref<1600x77xi32, #tpu.memory_space<vmem>>, vector<100x77xi32>,
    %get3A_22 = arith.constant 0 : index
    %get3A_23 = arith.constant 0 : index
    %get3A_24 = vector.load %arg1[%get3A_22, %get3A_23] : memref<100x77xi32, #tpu.memory_space<vmem>>, vector<100x77xi32>
    %swap3A_25 = arith.constant 400 : index
    %swap3A_26 = arith.constant 0 : index
    %swap3A_27 = vector.load %arg3[%swap3A_25, %swap3A_26] : memref<1600x77xi32, #tpu.memory_space<vmem>>, vector<100x77xi32>
    tpu.vector_store %arg3[%swap3A_25, %swap3A_26], %get3A_24 {strides = array<i32>} : memref<1600x77xi32, #tpu.memory_space<vmem>>, vector<100x77xi32>,
    %get3A_28 = arith.constant 0 : index
    %get3A_29 = arith.constant 0 : index
    %get3A_30 = vector.load %arg1[%get3A_28, %get3A_29] : memref<100x77xi32, #tpu.memory_space<vmem>>, vector<100x77xi32>
    %swap3A_31 = arith.constant 500 : index
    %swap3A_32 = arith.constant 0 : index
    %swap3A_33 = vector.load %arg3[%swap3A_31, %swap3A_32] : memref<1600x77xi32, #tpu.memory_space<vmem>>, vector<100x77xi32>
    tpu.vector_store %arg3[%swap3A_31, %swap3A_32], %get3A_30 {strides = array<i32>} : memref<1600x77xi32, #tpu.memory_space<vmem>>, vector<100x77xi32>,
    %get3A_34 = arith.constant 0 : index
    %get3A_35 = arith.constant 0 : index
    %get3A_36 = vector.load %arg1[%get3A_34, %get3A_35] : memref<100x77xi32, #tpu.memory_space<vmem>>, vector<100x77xi32>
    %swap3A_37 = arith.constant 600 : index
    %swap3A_38 = arith.constant 0 : index
    %swap3A_39 = vector.load %arg3[%swap3A_37, %swap3A_38] : memref<1600x77xi32, #tpu.memory_space<vmem>>, vector<100x77xi32>
    tpu.vector_store %arg3[%swap3A_37, %swap3A_38], %get3A_36 {strides = array<i32>} : memref<1600x77xi32, #tpu.memory_space<vmem>>, vector<100x77xi32>,
    %get3A_40 = arith.constant 0 : index
    %get3A_41 = arith.constant 0 : index
    %get3A_42 = vector.load %arg1[%get3A_40, %get3A_41] : memref<100x77xi32, #tpu.memory_space<vmem>>, vector<100x77xi32>
    %swap3A_43 = arith.constant 700 : index
    %swap3A_44 = arith.constant 0 : index
    %swap3A_45 = vector.load %arg3[%swap3A_43, %swap3A_44] : memref<1600x77xi32, #tpu.memory_space<vmem>>, vector<100x77xi32>
    tpu.vector_store %arg3[%swap3A_43, %swap3A_44], %get3A_42 {strides = array<i32>} : memref<1600x77xi32, #tpu.memory_space<vmem>>, vector<100x77xi32>,
    %get3A_46 = arith.constant 0 : index
    %get3A_47 = arith.constant 0 : index
    %get3A_48 = vector.load %arg1[%get3A_46, %get3A_47] : memref<100x77xi32, #tpu.memory_space<vmem>>, vector<100x77xi32>
    %swap3A_49 = arith.constant 800 : index
    %swap3A_50 = arith.constant 0 : index
    %swap3A_51 = vector.load %arg3[%swap3A_49, %swap3A_50] : memref<1600x77xi32, #tpu.memory_space<vmem>>, vector<100x77xi32>
    tpu.vector_store %arg3[%swap3A_49, %swap3A_50], %get3A_48 {strides = array<i32>} : memref<1600x77xi32, #tpu.memory_space<vmem>>, vector<100x77xi32>,
    %get3A_52 = arith.constant 0 : index
    %get3A_53 = arith.constant 0 : index
    %get3A_54 = vector.load %arg1[%get3A_52, %get3A_53] : memref<100x77xi32, #tpu.memory_space<vmem>>, vector<100x77xi32>
    %swap3A_55 = arith.constant 900 : index
    %swap3A_56 = arith.constant 0 : index
    %swap3A_57 = vector.load %arg3[%swap3A_55, %swap3A_56] : memref<1600x77xi32, #tpu.memory_space<vmem>>, vector<100x77xi32>
    tpu.vector_store %arg3[%swap3A_55, %swap3A_56], %get3A_54 {strides = array<i32>} : memref<1600x77xi32, #tpu.memory_space<vmem>>, vector<100x77xi32>,
    %get3A_58 = arith.constant 0 : index
    %get3A_59 = arith.constant 0 : index
    %get3A_60 = vector.load %arg1[%get3A_58, %get3A_59] : memref<100x77xi32, #tpu.memory_space<vmem>>, vector<100x77xi32>
    %swap3A_61 = arith.constant 1000 : index
    %swap3A_62 = arith.constant 0 : index
    %swap3A_63 = vector.load %arg3[%swap3A_61, %swap3A_62] : memref<1600x77xi32, #tpu.memory_space<vmem>>, vector<100x77xi32>
    tpu.vector_store %arg3[%swap3A_61, %swap3A_62], %get3A_60 {strides = array<i32>} : memref<1600x77xi32, #tpu.memory_space<vmem>>, vector<100x77xi32>,
    %get3A_64 = arith.constant 0 : index
    %get3A_65 = arith.constant 0 : index
    %get3A_66 = vector.load %arg1[%get3A_64, %get3A_65] : memref<100x77xi32, #tpu.memory_space<vmem>>, vector<100x77xi32>
    %swap3A_67 = arith.constant 1100 : index
    %swap3A_68 = arith.constant 0 : index
    %swap3A_69 = vector.load %arg3[%swap3A_67, %swap3A_68] : memref<1600x77xi32, #tpu.memory_space<vmem>>, vector<100x77xi32>
    tpu.vector_store %arg3[%swap3A_67, %swap3A_68], %get3A_66 {strides = array<i32>} : memref<1600x77xi32, #tpu.memory_space<vmem>>, vector<100x77xi32>,
    %get3A_70 = arith.constant 0 : index
    %get3A_71 = arith.constant 0 : index
    %get3A_72 = vector.load %arg1[%get3A_70, %get3A_71] : memref<100x77xi32, #tpu.memory_space<vmem>>, vector<100x77xi32>
    %swap3A_73 = arith.constant 1200 : index
    %swap3A_74 = arith.constant 0 : index
    %swap3A_75 = vector.load %arg3[%swap3A_73, %swap3A_74] : memref<1600x77xi32, #tpu.memory_space<vmem>>, vector<100x77xi32>
    tpu.vector_store %arg3[%swap3A_73, %swap3A_74], %get3A_72 {strides = array<i32>} : memref<1600x77xi32, #tpu.memory_space<vmem>>, vector<100x77xi32>,
    %get3A_76 = arith.constant 0 : index
    %get3A_77 = arith.constant 0 : index
    %get3A_78 = vector.load %arg1[%get3A_76, %get3A_77] : memref<100x77xi32, #tpu.memory_space<vmem>>, vector<100x77xi32>
    %swap3A_79 = arith.constant 1300 : index
    %swap3A_80 = arith.constant 0 : index
    %swap3A_81 = vector.load %arg3[%swap3A_79, %swap3A_80] : memref<1600x77xi32, #tpu.memory_space<vmem>>, vector<100x77xi32>
    tpu.vector_store %arg3[%swap3A_79, %swap3A_80], %get3A_78 {strides = array<i32>} : memref<1600x77xi32, #tpu.memory_space<vmem>>, vector<100x77xi32>,
    %get3A_82 = arith.constant 0 : index
    %get3A_83 = arith.constant 0 : index
    %get3A_84 = vector.load %arg1[%get3A_82, %get3A_83] : memref<100x77xi32, #tpu.memory_space<vmem>>, vector<100x77xi32>
    %swap3A_85 = arith.constant 1400 : index
    %swap3A_86 = arith.constant 0 : index
    %swap3A_87 = vector.load %arg3[%swap3A_85, %swap3A_86] : memref<1600x77xi32, #tpu.memory_space<vmem>>, vector<100x77xi32>
    tpu.vector_store %arg3[%swap3A_85, %swap3A_86], %get3A_84 {strides = array<i32>} : memref<1600x77xi32, #tpu.memory_space<vmem>>, vector<100x77xi32>,
    %get3A_88 = arith.constant 0 : index
    %get3A_89 = arith.constant 0 : index
    %get3A_90 = vector.load %arg1[%get3A_88, %get3A_89] : memref<100x77xi32, #tpu.memory_space<vmem>>, vector<100x77xi32>
    %swap3A_91 = arith.constant 1500 : index
    %swap3A_92 = arith.constant 0 : index
    %swap3A_93 = vector.load %arg3[%swap3A_91, %swap3A_92] : memref<1600x77xi32, #tpu.memory_space<vmem>>, vector<100x77xi32>
    tpu.vector_store %arg3[%swap3A_91, %swap3A_92], %get3A_90 {strides = array<i32>} : memref<1600x77xi32, #tpu.memory_space<vmem>>, vector<100x77xi32>,
    %get3A_94 = arith.constant 0 : index
    %get3A_95 = arith.constant 0 : index
    %get3A_96 = vector.load %arg2[%get3A_94, %get3A_95] : memref<1x77xi32, #tpu.memory_space<vmem>>, vector<1x77xi32>
    %broadcast_in_dim3A = vector.shape_cast %get3A_96 : vector<1x77xi32> to vector<1x77xi32>
    %broadcast_in_dim3A_97 = vector.broadcast %broadcast_in_dim3A : vector<1x77xi32> to vector<1000x77xi32>
    %swap3A_98 = arith.constant 0 : index
    %swap3A_99 = arith.constant 0 : index
    %swap3A_100 = vector.load %arg4[%swap3A_98, %swap3A_99] : memref<1000x77xi32, #tpu.memory_space<vmem>>, vector<1000x77xi32>
    tpu.vector_store %arg4[%swap3A_98, %swap3A_99], %broadcast_in_dim3A_97 {strides = array<i32>} : memref<1000x77xi32, #tpu.memory_space<vmem>>, vector<1000x77xi32>,
    return
  }
  func.func @transform_0(%arg0: i32) -> (i32, i32) {
    %c0_i32 = arith.constant 0 : i32
    %c0_i32_0 = arith.constant 0 : i32
    %c0_i32_1 = arith.constant 0 : i32
    return %c0_i32, %c0_i32_0 : i32, i32
  }
  func.func @transform_1(%arg0: i32) -> (i32, i32) {
    %c0_i32 = arith.constant 0 : i32
    %c0_i32_0 = arith.constant 0 : i32
    %c0_i32_1 = arith.constant 0 : i32
    return %c0_i32, %c0_i32_0 : i32, i32
  }
  func.func @transform_2(%arg0: i32) -> (i32, i32) {
    %c0_i32 = arith.constant 0 : i32
    %c0_i32_0 = arith.constant 0 : i32
    %c0_i32_1 = arith.constant 0 : i32
    return %c0_i32, %c0_i32_0 : i32, i32
  }
  func.func @transform_3(%arg0: i32) -> (i32, i32) {
    %c0_i32 = arith.constant 0 : i32
    %c0_i32_0 = arith.constant 0 : i32
    %c0_i32_1 = arith.constant 0 : i32
    return %c0_i32, %c0_i32_0 : i32, i32
  }
}

module attributes {stable_mosaic.version = 14 : i64} {
  func.func @_tc_prompts_body(%arg0: i32, %arg1: i32, %arg2: memref<24x512xf32, #tpu.memory_space<vmem>>, %arg3: memref<20x1x512xf32, #tpu.memory_space<vmem>>, %arg4: memref<20x52x512xf32, #tpu.memory_space<vmem>>, %arg5: memref<20x77x512xf32, #tpu.memory_space<vmem>>) attributes {dimension_semantics = [#tpu.dimension_semantics<arbitrary>, #tpu.dimension_semantics<arbitrary>], iteration_bounds = array<i64: 16, 5>, scalar_prefetch = 0 : i64, scratch_operands = 0 : i64, tpu.core_type = #tpu.core_type<tc>, window_params = [{transform_indices = @transform_0, window_bounds = array<i64: 24, 512>}, {transform_indices = @transform_1, window_bounds = array<i64: 20, 1, 512>}, {transform_indices = @transform_2, window_bounds = array<i64: 20, 52, 512>}, {transform_indices = @transform_3, window_bounds = array<i64: 20, 77, 512>}]} {
    %get3A = arith.constant 0 : index
    %get3A_0 = arith.constant 0 : index
    %get3A_1 = arith.constant 0 : index
    %get3A_2 = vector.load %arg3[%get3A, %get3A_0, %get3A_1] : memref<20x1x512xf32, #tpu.memory_space<vmem>>, vector<20x1x512xf32>
    %swap3A = arith.constant 0 : index
    %swap3A_3 = arith.constant 0 : index
    %swap3A_4 = arith.constant 0 : index
    %swap3A_5 = vector.load %arg5[%swap3A, %swap3A_3, %swap3A_4] : memref<20x77x512xf32, #tpu.memory_space<vmem>>, vector<20x1x512xf32>
    tpu.vector_store %arg5[%swap3A, %swap3A_3, %swap3A_4], %get3A_2 {strides = array<i32>} : memref<20x77x512xf32, #tpu.memory_space<vmem>>, vector<20x1x512xf32>,
    %get3A_6 = arith.constant 0 : index
    %get3A_7 = arith.constant 0 : index
    %get3A_8 = vector.load %arg2[%get3A_6, %get3A_7] : memref<24x512xf32, #tpu.memory_space<vmem>>, vector<12x512xf32>
    %broadcast_in_dim3A = vector.shape_cast %get3A_8 : vector<12x512xf32> to vector<1x12x512xf32>
    %broadcast_in_dim3A_9 = vector.shape_cast %broadcast_in_dim3A : vector<1x12x512xf32> to vector<1x12x512xf32>
    %broadcast_in_dim3A_10 = vector.broadcast %broadcast_in_dim3A_9 : vector<1x12x512xf32> to vector<20x12x512xf32>
    %swap3A_11 = arith.constant 0 : index
    %swap3A_12 = arith.constant 1 : index
    %swap3A_13 = arith.constant 0 : index
    %swap3A_14 = vector.load %arg5[%swap3A_11, %swap3A_12, %swap3A_13] : memref<20x77x512xf32, #tpu.memory_space<vmem>>, vector<20x12x512xf32>
    tpu.vector_store %arg5[%swap3A_11, %swap3A_12, %swap3A_13], %broadcast_in_dim3A_10 {strides = array<i32>} : memref<20x77x512xf32, #tpu.memory_space<vmem>>, vector<20x12x512xf32>,
    %get3A_15 = arith.constant 12 : index
    %get3A_16 = arith.constant 0 : index
    %get3A_17 = vector.load %arg2[%get3A_15, %get3A_16] : memref<24x512xf32, #tpu.memory_space<vmem>>, vector<12x512xf32>
    %broadcast_in_dim3A_18 = vector.shape_cast %get3A_17 : vector<12x512xf32> to vector<1x12x512xf32>
    %broadcast_in_dim3A_19 = vector.shape_cast %broadcast_in_dim3A_18 : vector<1x12x512xf32> to vector<1x12x512xf32>
    %broadcast_in_dim3A_20 = vector.broadcast %broadcast_in_dim3A_19 : vector<1x12x512xf32> to vector<20x12x512xf32>
    %swap3A_21 = arith.constant 0 : index
    %swap3A_22 = arith.constant 13 : index
    %swap3A_23 = arith.constant 0 : index
    %swap3A_24 = vector.load %arg5[%swap3A_21, %swap3A_22, %swap3A_23] : memref<20x77x512xf32, #tpu.memory_space<vmem>>, vector<20x12x512xf32>
    tpu.vector_store %arg5[%swap3A_21, %swap3A_22, %swap3A_23], %broadcast_in_dim3A_20 {strides = array<i32>} : memref<20x77x512xf32, #tpu.memory_space<vmem>>, vector<20x12x512xf32>,
    %get3A_25 = arith.constant 0 : index
    %get3A_26 = arith.constant 0 : index
    %get3A_27 = arith.constant 0 : index
    %get3A_28 = vector.load %arg4[%get3A_25, %get3A_26, %get3A_27] : memref<20x52x512xf32, #tpu.memory_space<vmem>>, vector<20x52x512xf32>
    %swap3A_29 = arith.constant 0 : index
    %swap3A_30 = arith.constant 25 : index
    %swap3A_31 = arith.constant 0 : index
    %swap3A_32 = vector.load %arg5[%swap3A_29, %swap3A_30, %swap3A_31] : memref<20x77x512xf32, #tpu.memory_space<vmem>>, vector<20x52x512xf32>
    tpu.vector_store %arg5[%swap3A_29, %swap3A_30, %swap3A_31], %get3A_28 {strides = array<i32>} : memref<20x77x512xf32, #tpu.memory_space<vmem>>, vector<20x52x512xf32>,
    return
  }
  func.func @transform_0(%arg0: i32, %arg1: i32) -> (i32, i32) {
    %c0_i32 = arith.constant 0 : i32
    %c0_i32_0 = arith.constant 0 : i32
    return %arg0, %c0_i32 : i32, i32
  }
  func.func @transform_1(%arg0: i32, %arg1: i32) -> (i32, i32, i32) {
    %c0_i32 = arith.constant 0 : i32
    %c0_i32_0 = arith.constant 0 : i32
    %c0_i32_1 = arith.constant 0 : i32
    return %arg1, %c0_i32, %c0_i32_0 : i32, i32, i32
  }
  func.func @transform_2(%arg0: i32, %arg1: i32) -> (i32, i32, i32) {
    %c0_i32 = arith.constant 0 : i32
    %c0_i32_0 = arith.constant 0 : i32
    %c0_i32_1 = arith.constant 0 : i32
    return %arg1, %c0_i32, %c0_i32_0 : i32, i32, i32
  }
  func.func @transform_3(%arg0: i32, %arg1: i32) -> (i32, i32, i32) {
    %mul3A = arith.constant 5 : i32
    %mul3A_0 = arith.muli %arg0, %mul3A : i32
    %add3A = arith.addi %mul3A_0, %arg1 : i32
    %c0_i32 = arith.constant 0 : i32
    %c0_i32_1 = arith.constant 0 : i32
    %c0_i32_2 = arith.constant 0 : i32
    return %add3A, %c0_i32, %c0_i32_1 : i32, i32, i32
  }
}

</mosaic_0001>

<sc_bundles>
// kernel: kernel.6.cloned.1.call-start
scs
__scs_entry_jumppad:
0x0: {  	(pc) =	sbr.rel $0x88, $3  }
0x1: {  	(tag) =	ssettag $0x0;
	lr =	simm.s32 $0x1  }
0x2: {  	[smem:$0x3F98] =	sst lr;
	_ =	strace $0xD0000000  }
0x3: {  	_ = 	snop  }
0x4: {  	_ = 	snop  }
0x5: {  	_ = 	snop  }
0x6: {  	_ = 	snop  }
0x7: {  	_ = 	snop  }
__scs_overlays_trampoline_lowered:
0x8: {  	[smem:$0x3FA7] =	sst s0  }
0x9: {  	[smem:$0x3FA8] =	sst s1  }
0xa: {  	[smem:$0x3FA9] =	sst s2  }
0xb: {  	[smem:$0x3FAA] =	sst s3  }
0xc: {  	[smem:$0x3FAB] =	sst s4  }
0xd: {  	[smem:$0x3FAC] =	sst s5  }
0xe: {  	[smem:$0x3FAD] =	sst s6  }
0xf: {  	[smem:$0x3FAE] =	sst s7  }
0x10: {  	[smem:$0x3FAF] =	sst s8  }
0x11: {  	[smem:$0x3FB0] =	sst s9;
	s0 =	simm.s32 @!p0 $0x0  }
0x12: {  	s1 =	sld [smem:$0x3F96];
	s0 =	simm.s32 @p0 $0x1  }
0x13: {  	[smem:$0x3FB1] =	sst s0;
	s0 =	simm.s32 @!p1 $0x0  }
0x14: {  	s2 =	sld [smem:$0x3F95];
	s0 =	simm.s32 @p1 $0x1  }
0x15: {  	[smem:$0x3FB2] =	sst s0;
	s0 =	simm.s32 @!p2 $0x0  }
0x16: {  	s3 =	sld [smem:$0x3FDB];
	s0 =	simm.s32 @p2 $0x1  }
0x17: {  	s4 =	simm.s32 $0x1BF5;
	[smem:$0x3FB4] =	sst s0  }
0x18: {  	s0 =	sld [smem:$0x3F97];
	_ =	swait.ge [sflag:s4], $0x0  }
0x19: {  	s7 =	sld [smem:$0x3F98]  }
0x1a: {  	s8 =	sadd.s32 $0xFFFFE003, lr  }
0x1b: {  	s9 =	sadd.s32 $0xFFFFFEF7, lr;
	s5 =	simm.s32 $0xFFFFFFFF;
	p2 =	slt.u32 s8, $0xFFFFF086  }
0x1c: {  	p1 =	slt.u32 s9, $0xF7A;
	s5 =	simm.s32 @!p2 $0x0  }
0x1d: {  	s5 =	simm.s32 @p1 $0x1;
	p0 =	seq.s32 s7, s2  }
0x1e: {  	s7 =	smul.u32 @!p0 $0xF7A, s2;
	p2 =	seq.s32 @!p0 s5, $0x0  }
0x1f: {  	s9 =	smul.u32 $0xF7A, s1;
	s8 =	simm.s32 @!p0 $0x1BF5;
	p2 =	por !p2, p0  }
0x20: {  	[sflag:s8] =	ssyncset.s32 @!p0 $0xFFFFF086;
	s6 =	sadd.s32 @!p0 s3, s7;
	s7 =	simm.s32 @!p0 $0x108  }
0x21: {  	s3 =	sadd.s32 s3, s9;
	s6 =	sadd.s32 @!p0 $0x88, s6;
	s7 =	simm.s32 @p2 $0x1082  }
0x22: {  	[simem:s7], [sflag:s8] =	dma.local @!p0 [hbm:s6], $0xF7A  }
0x23: {  	s9 =	sor.u32 $0xD0000000, s2;
	s6 =	simm.s32 $0x108;
	_ =	swait.ge @!p0 [sflag:s8], $0x0  }
0x24: {  	s3 =	sadd.s32 $0x88, s3;
	s6 =	simm.s32 @!p1 $0x1082;
	[sflag:s4] =	ssyncset.s32 $0xFFFFF086  }
0x25: {  	[simem:s6], [sflag:s4] =	dma.local [hbm:s3], $0xF7A  }
0x26: {  	[smem:$0x3F98] =	sst s1;
	(tag) =	ssettag s2;
	_ =	strace s9  }
0x27: {  	s1 =	sld [smem:$0x3FA8]  }
0x28: {  	s2 =	sld [smem:$0x3FA9]  }
0x29: {  	s4 =	sld [smem:$0x3FAB]  }
0x2a: {  	p0 =	seq.s32 s5, $0x0;
	s5 =	sld [smem:$0x3FAC]  }
0x2b: {  	s6 =	sld [smem:$0x3FAD]  }
0x2c: {  	s7 =	sld [smem:$0x3FAE]  }
0x2d: {  	s3 =	simm.s32 $0x108;
	s8 =	sld [smem:$0x3FAF]  }
0x2e: {  	s3 =	simm.s32 @!p0 $0x1082;
	s9 =	sld [smem:$0x3FB0]  }
0x2f: {  	lr =	sadd.s32 s0, s3;
	s0 =	sld [smem:$0x3FA7]  }
0x30: {  	s3 =	sld [smem:$0x3FAA]  }
0x31: {  	[smem:$0x3FB3] =	sst s10  }
0x32: {  	s10 =	sld [smem:$0x3FB1];
	_ =	sdelay $0x3  }
0x33: {  	p0 =	seq.s32 s10, $0x1;
	s10 =	sld [smem:$0x3FB3];
	_ =	sdelay $0x3  }
0x34: {  	[smem:$0x3FB3] =	sst s10  }
0x35: {  	s10 =	sld [smem:$0x3FB2];
	_ =	sdelay $0x3  }
0x36: {  	p1 =	seq.s32 s10, $0x1;
	s10 =	sld [smem:$0x3FB3];
	_ =	sdelay $0x3  }
0x37: {  	[smem:$0x3FB3] =	sst s10  }
0x38: {  	s10 =	sld [smem:$0x3FB4]  }
0x39: {  	_ = 	snop;
	(pc) =	sbr.ind lr, $3  }
0x3a: {  	_ = 	snop  }
0x3b: {  	_ = 	snop  }
0x3c: {  	p2 =	seq.s32 s10, $0x1;
	s10 =	sld [smem:$0x3FB3]  }
0x3d: {  	_ =	shalt  }
0x3e: {  	_ =	shalt  }
0x3f: {  	_ =	shalt  }
0x40: {  	_ =	shalt  }
0x41: {  	_ =	shalt  }
0x42: {  	_ =	shalt  }
0x43: {  	_ =	shalt  }
0x44: {  	_ =	shalt  }
0x45: {  	_ =	shalt  }
0x46: {  	_ =	shalt  }
0x47: {  	_ =	shalt  }
0x48: {  	_ =	shalt  }
0x49: {  	_ =	shalt  }
0x4a: {  	_ =	shalt  }
0x4b: {  	_ =	shalt  }
0x4c: {  	_ =	shalt  }
0x4d: {  	_ =	shalt  }
0x4e: {  	_ =	shalt  }
0x4f: {  	_ =	shalt  }
0x50: {  	_ =	shalt  }
0x51: {  	_ =	shalt  }
0x52: {  	_ =	shalt  }
0x53: {  	_ =	shalt  }
0x54: {  	_ =	shalt  }
0x55: {  	_ =	shalt  }
0x56: {  	_ =	shalt  }
0x57: {  	_ =	shalt  }
0x58: {  	_ =	shalt  }
0x59: {  	_ =	shalt  }
0x5a: {  	_ =	shalt  }
0x5b: {  	_ =	shalt  }
0x5c: {  	_ =	shalt  }
0x5d: {  	_ =	shalt  }
0x5e: {  	_ =	shalt  }
0x5f: {  	_ =	shalt  }
0x60: {  	_ =	shalt  }
0x61: {  	_ =	shalt  }
0x62: {  	_ =	shalt  }
0x63: {  	_ =	shalt  }
0x64: {  	_ =	shalt  }
0x65: {  	_ =	shalt  }
0x66: {  	_ =	shalt  }
0x67: {  	_ =	shalt  }
0x68: {  	_ =	shalt  }
0x69: {  	_ =	shalt  }
0x6a: {  	_ =	shalt  }
0x6b: {  	_ =	shalt  }
0x6c: {  	_ =	shalt  }
0x6d: {  	_ =	shalt  }
0x6e: {  	_ =	shalt  }
0x6f: {  	_ =	shalt  }
0x70: {  	_ =	shalt  }
0x71: {  	_ =	shalt  }
0x72: {  	_ =	shalt  }
0x73: {  	_ =	shalt  }
0x74: {  	_ =	shalt  }
0x75: {  	_ =	shalt  }
0x76: {  	_ =	shalt  }
0x77: {  	_ =	shalt  }
0x78: {  	_ =	shalt  }
0x79: {  	_ =	shalt  }
0x7a: {  	_ =	shalt  }
0x7b: {  	_ =	shalt  }
0x7c: {  	_ =	shalt  }
0x7d: {  	_ =	shalt  }
0x7e: {  	_ =	shalt  }
0x7f: {  	_ =	shalt  }
0x80: {  	_ =	shalt  }
0x81: {  	_ =	shalt  }
0x82: {  	_ =	shalt  }
0x83: {  	_ =	shalt  }
0x84: {  	_ =	shalt  }
0x85: {  	_ =	shalt  }
0x86: {  	_ =	shalt  }
0x87: {  	_ =	shalt  }
.Lfunc_end0:
.L_simem_size_0:
called_computation_lowered:
.L_overlay_start_0:
0x88: {  	s2 =	sld [smem:$0x3FD9]  }
0x89: {  	s3 =	sld [smem:$0x3FFE];
	_ =	sdelay $0x1  }
0x8a: {  	s1 =	srdreg.scid  }
0x8b: {  	s0 =	sand.u32 $0x1, s1  }
0x8c: {  	s17 =	sshll.u32 s0, $0xA;
	s2 =	sadd.s32 s3, s2  }
0x8d: {  	s2 =	sadd.s32 s2, s17  }
0x8e: {  	[smem:$0x3FBF] =	sst s2  }
0x8f: {  	_ = 	snop  }
0x90: {  	s2 =	sld [smem:$0x3FC9];
	(tm) =	ssettm $0x1  }
0x91: {  	s18 =	sld [smem:$0x3FFB];
	_ =	sdelay $0x3  }
0x92: {  	_ =	strace s18  }
0x93: {  	s3 =	sld [smem:$0x3FFC];
	_ =	sdelay $0x3  }
0x94: {  	_ =	strace s3  }
0x95: {  	s3 =	sld [smem:$0x3FFD];
	_ =	sdelay $0x3  }
0x96: {  	_ =	strace s3  }
0x97: {  	_ =	strace $0x8FFFFFFF  }
0x98: {  	s19 =	sld [smem:$0x3FDB];
	_ =	sdelay $0x1  }
0x99: {  	s4 =	simm.s32 $_scs_section_size  }
0x9a: {  	s5 =	simm.s32 $_size__tile_overlayer_lowered;
	s6 =	simm.s32 $_tile_overlayer_lowered  }
0x9b: {  	s22 =	simm.s32 $0x1BFF;
	s21 =	sshll.u32 s6, $0x1;
	s3 =	sadd.s32 s4, s19  }
0x9c: {  	s7 =	simm.s32 $0x0;
	s20 =	sshll.u32 s5, $0x1;
	s5 =	sadd.s32 s21, s3  }
0x9d: {  	[timem:s7], [sflag:s22] =	dma.local [hbm:s5], s20  }
0x9e: {  	_ =	swait.ge [sflag:s22], s20  }
0x9f: {  	s4 =	ssub.s32 $0x0, s20;
	[sflag:s22] =	ssyncset.done $0x0  }
0xa0: {  	[sflag:s22] =	ssyncadd.s32 s4;
	_ =	sdelay $0x1  }
0xa1: {  	s23 =	simm.s32 $0x1B8B  }
0xa2: {  	_ =	swait.ge [sflag:s23], $0x1  }
0xa3: {  	[sflag:s23] =	ssyncset.done $0x0  }
0xa4: {  	s25 =	simm.s32 $0x1B8E;
	s24 =	sld [smem:$0x3FFE];
	[sflag:s23] =	ssyncadd.s32 $0xFFFFFFFF  }
0xa5: {  	s26 =	simm.s32 $execute0_lowered;
	[smem:$0x3FD2] =	sst s25  }
0xa6: {  	s5 =	sshll.u32 s26, $0x1;
	_ =	strace $0x80000046;
	[dreg:$0x1] =	wrdreg $0xFFFFFFFF  }
0xa7: {  	s28 =	simm.s32 $_size_execute0_lowered;
	s3 =	sadd.s32 s3, s5;
	[dreg:$0x0] =	wrdreg $0x0  }
0xa8: {  	s5 =	sshll.u32 s28, $0x1;
	[dreg:$0x2] =	wrdreg s3  }
0xa9: {  	[dreg:$0x3] =	wrdreg s5  }
0xaa: {  	[dreg:$0x4] =	wrdreg $0xC0  }
0xab: {  	_ =	task [dreg:s7], $0x5FFFF  }
0xac: {  	[dreg:$0x1] =	wrdreg $0xFFFFFFFF  }
0xad: {  	[dreg:$0x0] =	wrdreg $0x60  }
0xae: {  	[dreg:$0x2] =	wrdreg s2  }
0xaf: {  	[dreg:$0x3] =	wrdreg s24  }
0xb0: {  	[dreg:$0x4] =	wrdreg $0x9  }
0xb1: {  	_ =	task.clear_ibuf [dreg:s7], $0x5FFFF;
	_ =	strace $0x90000046  }
0xb2: {  	s29 =	simm.s32 $0x9;
	_ =	strace $0x80000048  }
0xb3: {  	_ =	swait.ge [sflag:s29], $0x1  }
0xb4: {  	[sflag:s29] =	ssyncadd.s32 $0xFFFFFFFF  }
0xb5: {  	_ =	strace $0x90000048  }
0xb6: {  	_ =	sfence  }
0xb7: {  	s30 =	sld [smem:$0x0];
	_ =	sdelay $0x2  }
0xb8: {  	s31 =	sshll.u32 s1, $0xD;
	s1 =	sshrl.u32 s1, $0x2  }
0xb9: {  	s3 =	sand.u32 $0x4000, s31;
	s1 =	sadd.s32 s1, s30  }
0xba: {  	s0 =	sor.u32 s3, s0;
	s1 =	sshll.u32 s1, $0x11  }
0xbb: {  	s0 =	sor.u32 s1, s0  }
0xbc: {  	s0 =	sadd.s32 $0x8F2B, s0  }
0xbd: {  	[sflag:s0] =	ssyncadd.remote.s32 $0x1  }
0xbe: {  	_ =	sfence.sel $0xFFFF  }
0xbf: {  	[dreg:$0x0] =	wrdreg $0xFFFFFFFF;
	(pc) =	sbr.abs _section_cstart, $3  }
0xc0: {  	[dreg:$0x1] =	wrdreg $0xFFFFFFFF  }
0xc1: {  	_ =	task.clear_ibuf [dreg:s7], $0x2FFFF;
	_ =	strace $0x9FFFFFFF  }
0xc2: {  	(tm) =	ssettm $0x7FFFFFFF  }
0xc3: {  	_ =	shalt  }
tec
execute0_lowered:
.L_overlay_start_1:
0x0: {  	(tag) =	ssettag $0x1  }
0x1: {  	s1 =	stileid.u32  }
0x2: {  	p0 =	sgt.u32 s1, $0xB  }
.Ltmp0:
0x3: {  	_ = 	snop;
	(pc) =	sbr.rel @p0 .LBB2_4-.Ltmp0, $4  }
0x4: {  	s2 =	rddreg [dreg:$0x0]  }
0x5: {  	s12 =	rddreg [dreg:$0x1];
	s3 =	simm.s32 $0x0  }
0x6: {  	[smem:$0x7FF] =	sst s3  }
0x7: {  	s0 =	rddreg [dreg:$0x2];
	_ =	strace $0x80000047  }
0x8: {  	s5 =	srdreg.scid;
	s4 =	simm.s32 $0x2  }
0x9: {  	[tilespmem:s3], [sflag:$0x2] =	stream.linear.gather [hbm4b:s2+s3], $0x80, $0x38;
	[tilespmem:$0x2100] =	vst v63  }
0xa: {  	s29 =	sshll.u32 s1, $0x1;
	s10 =	sand.u32 $0x1, s5;
	_ =	swait.ge [sflag:s4], $0x80  }
0xb: {  	s13 =	sor.u32 s10, s29;
	[sflag:s4] =	ssyncset.done $0x0  }
0xc: {  	v4 =	vlaneseq.u32;
	s5 =	sshll.u32 s13, $0x4;
	[sflag:s4] =	ssyncadd.s32 $0xFFFFFF80  }
0xd: {  	v1 =	vor.u32 s5, v4;
	v2 =	vld [tilespmem:$0x0]  }
0xe: {  	v0 =	vmulhi.u32 $0x2AAAAAAB, v1;
	_ =	sdelay $0x1  }
0xf: {  	v3 =	vshrl.u32 v0, $0x1  }
0x10: {  	v0 =	vand.u32 $0xF, v3  }
0x11: {  	v2 =	vperm.xlane v2, v0  }
0x12: {  	v3 =	vmul.u32 $0xFFFFFFF4, v3  }
0x13: {  	v2 =	vmul.u32 $0xC, v2  }
0x14: {  	v1 =	vadd.s32 v1, v3  }
0x15: {  	v5 =	vadd.s32 v2, v1  }
0x16: {  	v2 =	vshll.u32 v5, $0x2  }
0x17: {  	v3 =	vand.u32 $0x7, v5;
	v6 =	vand.u32 $0xFFFFFFE0, v2  }
0x18: {  	v7 =	vshrl.u32 v4, $0x3;
	v2 =	vand.u32 $0x7, v4;
	v6 =	vor.u32 v3, v6  }
0x19: {  	v3 =	vmul.u32 $0x8, v7;
	v7 =	vperm.xlane v6, v2;
	_ =	sdelay $0x1  }
0x1a: {  	v7 =	vadd.s32 v3, v7  }
0x1b: {  	v4 =	vor.u32 $0x8, v4  }
0x1c: {  	s6 =	sadd.s32 $0xFB600, s12;
	v6 =	vperm.xlane v6, v4  }
0x1d: {  	p0 =	slt.u32 s1, $0x6;
	s8 =	simm.s32 $0x900;
	s5 =	sadd.s32 $0x1B6E00, s12  }
0x1e: {  	vm0 =	vmmov $0xffff;
	s14 =	ssub.s32 $0x2, s10;
	s5 =	smov.u32 @p0 s6;
	s6 =	simm.s32 $0x100;
	[tilespmem:$0x80] =	vst v5;
	v5 =	vadd.s32 v3, v6  }
0x1f: {  	[tilespmem:s6], [sflag:$0x1] =	stream.indirect_vreg.gather [hbm4b:s5+s3], $0x80, v7, vm0, $0xb8;
	[tilespmem:$0x2100] =	vst v63  }
0x20: {  	s9 =	simm.s32 $0x1100;
	s15 =	sshrl.u32 s14, $0x1;
	s7 =	sadd.s32 $0x100, s5  }
0x21: {  	[tilespmem:s8], [sflag:$0x1] =	stream.indirect_vreg.gather [hbm4b:s7+s3], $0x80, v7, vm0, $0xb8;
	[tilespmem:$0x2100] =	vst v63  }
0x22: {  	s11 =	simm.s32 $0x1;
	s13 =	sshll.u32 s13, $0xA;
	s31 =	ssub.s32 s14, s15  }
0x23: {  	[tilespmem:s9], [sflag:$0x1] =	stream.indirect_vreg.gather [hbm4b:s5+s3], $0x80, v5, vm0, $0xb8;
	[tilespmem:$0x2100] =	vst v63  }
0x24: {  	s10 =	simm.s32 $0x1900;
	s30 =	sadd.s32 s13, s12;
	s13 =	smax.u32 s31, $0x1  }
0x25: {  	[tilespmem:s10], [sflag:$0x1] =	stream.indirect_vreg.gather [hbm4b:s7+s3], $0x80, v5, vm0, $0xb8;
	[tilespmem:$0x2100] =	vst v63  }
0x26: {  	p0 =	sne.s32 s13, $0x1;
	_ =	swait.ge [sflag:s11], $0x2000  }
.Ltmp1:
0x27: {  	[sflag:s11] =	ssyncset.done $0x0;
	(pc) =	sbr.rel @!p0 .LBB2_3-.Ltmp1, $4  }
0x28: {  	s12 =	sadd.s32 $0x272600, s30;
	[sflag:s11] =	ssyncadd.s32 $0xFFFFE000  }
0x29: {  	[hbm4b:s12+s3] =	stream.linear.scatter [tilespmem:s6], [sflag:$0x2], $0x2000, $0x38;
	[tilespmem:$0x2100] =	vst v63  }
0x2a: {  	_ =	swait.ge [sflag:s4], $0x2000  }
0x2b: {  	s13 =	sadd.s32 $0xFFFFFFFF, s13;
	[sflag:s4] =	ssyncset.done $0x0  }
.LBB2_2:
0x2c: {  	p0 =	sne.s32 s13, $0x1;
	s13 =	sadd.s32 $0xFFFFFFFF, s13;
	[sflag:s4] =	ssyncadd.s32 $0xFFFFE000  }
0x2d: {  	[tilespmem:s3], [sflag:$0x2] =	stream.linear.gather [hbm4b:s2+s3], $0x80, $0x38;
	[tilespmem:$0x2100] =	vst v63  }
0x2e: {  	_ =	swait.ge [sflag:s4], $0x80  }
0x2f: {  	[sflag:s4] =	ssyncset.done $0x0  }
0x30: {  	[sflag:s4] =	ssyncadd.s32 $0xFFFFFF80  }
0x31: {  	v5 =	vld [tilespmem:$0x0];
	_ =	sdelay $0x4  }
0x32: {  	v5 =	vperm.xlane v5, v0;
	_ =	sdelay $0x1  }
0x33: {  	v5 =	vmul.u32 $0xC, v5;
	_ =	sdelay $0x1  }
0x34: {  	v5 =	vadd.s32 v5, v1  }
0x35: {  	v6 =	vshll.u32 v5, $0x2  }
0x36: {  	v7 =	vand.u32 $0x7, v5;
	v6 =	vand.u32 $0xFFFFFFE0, v6  }
0x37: {  	v6 =	vor.u32 v7, v6  }
0x38: {  	v7 =	vperm.xlane v6, v2;
	v6 =	vperm.xlane v6, v4;
	_ =	sdelay $0x1  }
0x39: {  	v7 =	vadd.s32 v3, v7;
	_ =	sdelay $0x3  }
0x3a: {  	[tilespmem:$0x80] =	vst v5;
	v5 =	vadd.s32 v3, v6  }
0x3b: {  	[tilespmem:s6], [sflag:$0x1] =	stream.indirect_vreg.gather [hbm4b:s5+s3], $0x80, v7, vm0, $0xb8;
	[tilespmem:$0x2100] =	vst v63  }
0x3c: {  	_ = 	snop  }
0x3d: {  	[tilespmem:s8], [sflag:$0x1] =	stream.indirect_vreg.gather [hbm4b:s7+s3], $0x80, v7, vm0, $0xb8;
	[tilespmem:$0x2100] =	vst v63  }
0x3e: {  	_ = 	snop  }
0x3f: {  	[tilespmem:s9], [sflag:$0x1] =	stream.indirect_vreg.gather [hbm4b:s5+s3], $0x80, v5, vm0, $0xb8;
	[tilespmem:$0x2100] =	vst v63  }
0x40: {  	_ = 	snop  }
0x41: {  	[tilespmem:s10], [sflag:$0x1] =	stream.indirect_vreg.gather [hbm4b:s7+s3], $0x80, v5, vm0, $0xb8;
	[tilespmem:$0x2100] =	vst v63  }
0x42: {  	_ =	swait.ge [sflag:s11], $0x2000  }
.Ltmp2:
0x43: {  	[sflag:s11] =	ssyncset.done $0x0;
	(pc) =	sbr.rel @p0 .LBB2_2-.Ltmp2, $4  }
0x44: {  	[sflag:s11] =	ssyncadd.s32 $0xFFFFE000  }
0x45: {  	[hbm4b:s12+s3] =	stream.linear.scatter [tilespmem:s6], [sflag:$0x2], $0x2000, $0x38;
	[tilespmem:$0x2100] =	vst v63  }
0x46: {  	_ =	swait.ge [sflag:s4], $0x2000  }
0x47: {  	[sflag:s4] =	ssyncset.done $0x0  }
.LBB2_3:
0x48: {  	[sflag:s4] =	ssyncadd.s32 $0xFFFFE000  }
.LBB2_4:
0x49: {  	_ =	sfence.sel $0x180000  }
0x4a: {  	[bflag:$0x0] =	sbarrier.arrive $0xFFFF  }
0x4b: {  	p0 =	sne.s32 s1, $0x0;
	_ =	strace $0x90000047  }
0x4c: {  	s0 =	sadd.s32 @!p0 $0x100000, s0;
	[bflag:$0x2] =	sbarrier.arrive $0xFFFF  }
0x4d: {  	[sflag:s0] =	ssyncadd.tile.s32 @!p0 $0x1;
	_ =	shalt  }
.Lfunc_end2:
_tile_overlayer_lowered:
.L_overlay_start_2:
0x4e: {  	(tag) =	ssettag $0x2  }
0x4f: {  	s0 =	rddreg [dreg:$0x0];
	s2 =	stileid.u32  }
0x50: {  	s1 =	rddreg [dreg:$0x1];
	p0 =	sne.s32 s2, $0x0  }
0x51: {  	s3 =	rddreg [dreg:$0x2];
	[bflag:$0x3] =	sbarrier.arrive $0xFFFF;
	s2 =	simm.s32 @!p0 $0x1C02  }
0x52: {  	[timem:s3], [sflag:s2] =	dma.local @!p0 [hbm:s0], s1  }
0x53: {  	s0 =	simm.s32 @!p0 $0x2  }
0x54: {  	_ =	swait.ge @!p0 [sflag:s0], s1  }
0x55: {  	s1 =	ssub.s32 @!p0 $0x0, s1;
	[sflag:s0] =	ssyncset.done @!p0 $0x0  }
0x56: {  	[sflag:s0] =	ssyncadd.s32 @!p0 s1  }
0x57: {  	[bflag:$0x3] =	sbarrier.arrive $0xFFFF  }
0x58: {  	_ =	shalt  }

</sc_bundles>
